<compile_context>
chip_gen: v7x
topology: tpu7x:2x2x1
jax: 0.10.2.dev20260603
libtpu: 0.0.44.dev20260713+nightly
codegen_flags: <defaults>
</compile_context>

<pallas_src>
import math

import jax
import jax.numpy as jnp
from jax import lax
from jax.experimental import pallas as pl
from jax.experimental.pallas import tpu as pltpu
from jax.experimental.pallas import tpu_sc as plsc

_NTOKENS = 1000000
_NSAMPLED = 8192
_NHID = 128
_BATCH = 4096
_NC, _NS = 2, 16
_NW = _NC * _NS
_L_PER = _BATCH // _NW
_S_PER = _NSAMPLED // _NW
_LOG_NT1 = math.log(_NTOKENS + 1)


def _sc_gather_fn():
    f32, i32 = jnp.float32, jnp.int32
    mesh = plsc.VectorSubcoreMesh(
        core_axis_name="c", subcore_axis_name="s",
        num_cores=_NC, num_subcores=_NS)

    def body(w_hbm, b_hbm, lab_hbm, sid_hbm,
             tw_hbm, tb_hbm, sw_hbm, sb_hbm,
             idx_l, idx_s, rows_l, rows_s, bias_l, bias_s, sem):
        c = lax.axis_index("c")
        s = lax.axis_index("s")
        w = s * _NC + c
        pltpu.sync_copy(lab_hbm.at[pl.ds(w * _L_PER, _L_PER)], idx_l)
        pltpu.sync_copy(sid_hbm.at[pl.ds(w * _S_PER, _S_PER)], idx_s)
        cps = [
            pltpu.async_copy(w_hbm.at[idx_l], rows_l, sem),
            pltpu.async_copy(w_hbm.at[idx_s.at[pl.ds(0, 128)]],
                             rows_s.at[pl.ds(0, 128)], sem),
            pltpu.async_copy(w_hbm.at[idx_s.at[pl.ds(128, 128)]],
                             rows_s.at[pl.ds(128, 128)], sem),
        ]
        cps += [
            pltpu.async_copy(b_hbm.at[idx_l], bias_l, sem),
            pltpu.async_copy(b_hbm.at[idx_s.at[pl.ds(0, 128)]],
                             bias_s.at[pl.ds(0, 128)], sem),
            pltpu.async_copy(b_hbm.at[idx_s.at[pl.ds(128, 128)]],
                             bias_s.at[pl.ds(128, 128)], sem),
        ]
        for cp in cps:
            cp.wait()
        pltpu.sync_copy(rows_l, tw_hbm.at[pl.ds(w * _L_PER, _L_PER)])
        pltpu.sync_copy(rows_s, sw_hbm.at[pl.ds(w * _S_PER, _S_PER)])
        pltpu.sync_copy(bias_l, tb_hbm.at[pl.ds(w * _L_PER, _L_PER)])
        pltpu.sync_copy(bias_s, sb_hbm.at[pl.ds(w * _S_PER, _S_PER)])

    return pl.kernel(
        body,
        out_type=(
            jax.ShapeDtypeStruct((_BATCH, _NHID), f32),
            jax.ShapeDtypeStruct((_BATCH,), f32),
            jax.ShapeDtypeStruct((_NSAMPLED, _NHID), f32),
            jax.ShapeDtypeStruct((_NSAMPLED,), f32),
        ),
        mesh=mesh,
        scratch_types=[
            pltpu.VMEM((_L_PER,), i32),
            pltpu.VMEM((_S_PER,), i32),
            pltpu.VMEM((_L_PER, _NHID), f32),
            pltpu.VMEM((_S_PER, _NHID), f32),
            pltpu.VMEM((_L_PER,), f32),
            pltpu.VMEM((_S_PER,), f32),
            pltpu.SemaphoreType.DMA,
        ],
    )


def _log_expected_count(idx_f):
    p = (jnp.log(idx_f + 2.0) - jnp.log(idx_f + 1.0)) / _LOG_NT1
    return jnp.log(-(jnp.exp(_NSAMPLED * jnp.log(1.0 - p)) - 1.0))


def _mm_body(x_ref, tw_ref, tladj_ref, lab_ref, swp_ref, pk_ref, out_ref):
    x = x_ref[...]
    mm = lax.dot_general(swp_ref[...], x, (((1,), (1,)), ((), ())),
                         preferred_element_type=jnp.float32)
    pk = pk_ref[...]
    sid = lax.bitcast_convert_type(pk[:, 1:2], jnp.int32)
    res = mm + pk[:, :1]
    res = jnp.where(sid == lab_ref[...], jnp.float32(-1e37), res)
    out_ref[...] = res

    @pl.when(pl.program_id(0) == 0)
    def _():
        xtw = x * tw_ref[...]
        tl = lax.dot_general(jnp.ones((1, _NHID), jnp.float32), xtw,
                             (((1,), (1,)), ((), ())),
                             preferred_element_type=jnp.float32)
        out_ref[:1, :] = tl + tladj_ref[...]


def kernel(inputs, labels, W, b, sample_ids):
    f32, i32 = jnp.float32, jnp.int32
    tw, tb, sw, sb = _sc_gather_fn()(W, b, labels, sample_ids)
    swp = jnp.concatenate([jnp.zeros((1, _NHID), f32), sw], axis=0)
    adj = (sb - _log_expected_count(sample_ids.astype(f32))).reshape(-1, 1)
    sid_f = lax.bitcast_convert_type(sample_ids, f32).reshape(-1, 1)
    pk = jnp.concatenate([
        jnp.zeros((1, 2), f32),
        jnp.concatenate([adj, sid_f], axis=1),
    ], axis=0)
    tladj = (tb - _log_expected_count(labels.astype(f32))).reshape(1, _BATCH)
    labc = labels.reshape(1, _BATCH)

    bn = 512
    nsp1 = _NSAMPLED + 1
    out_t = pl.pallas_call(
        _mm_body,
        grid=(pl.cdiv(nsp1, bn),),
        in_specs=[
            pl.BlockSpec((_BATCH, _NHID), lambda i: (0, 0)),
            pl.BlockSpec((_BATCH, _NHID), lambda i: (0, 0)),
            pl.BlockSpec((1, _BATCH), lambda i: (0, 0)),
            pl.BlockSpec((1, _BATCH), lambda i: (0, 0)),
            pl.BlockSpec((bn, _NHID), lambda i: (i, 0)),
            pl.BlockSpec((bn, 2), lambda i: (i, 0)),
        ],
        out_specs=pl.BlockSpec((bn, _BATCH), lambda i: (i, 0)),
        out_shape=jax.ShapeDtypeStruct((nsp1, _BATCH), f32),
    )(inputs, tw, tladj, labc, swp, pk)
    return (out_t.T, jnp.zeros((_BATCH,), i32))

# --- scband reference (transcript-rebuilt; emitter-appended) ---
"""Pipeline reference for scband-sampled-softmax-2207613190735 (READ-ONLY COPY).

The authoritative reference and input builder live on the scoring server;
editing this copy changes nothing except your own understanding.
"""

import jax, jax.numpy as jnp
import numpy as np
import math

NTOKENS = 1000000
NSAMPLED = 8192
NHID = 128
BATCH = 4096


def _log_uniform_prob(idx):
    i = idx.astype(jnp.float32)
    return (jnp.log(i + 2.0) - jnp.log(i + 1.0)) / np.log(NTOKENS + 1)


def _expected_count(num_tries, ids):
    p = _log_uniform_prob(ids)
    # -(exp(num_tries * log(1 - p)) - 1)
    return -(jnp.exp(num_tries * jnp.log(1.0 - p)) - 1.0)


def setup_inputs(seed: int = 0) -> dict:
    key = jax.random.key(seed)
    k1, k2, k3, k4, k5 = jax.random.split(key, 5)
    inputs = jax.random.normal(k1, (BATCH, NHID), dtype=jnp.float32)
    labels = jax.random.randint(k2, (BATCH,), 0, NTOKENS, dtype=jnp.int32)
    stdv = math.sqrt(3.0 / (NTOKENS + NHID))
    W = jax.random.uniform(k3, (NTOKENS, NHID), minval=-stdv, maxval=stdv, dtype=jnp.float32)
    bb = 1.0 / math.sqrt(NHID)
    b = jax.random.uniform(k4, (NTOKENS,), minval=-bb, maxval=bb, dtype=jnp.float32)
    # log-uniform (Zipf) sampling: floor(exp(u * log N)) - 1
    u = jax.random.uniform(k5, (NSAMPLED,), dtype=jnp.float32)
    sample_ids = (jnp.floor(jnp.exp(u * np.log(NTOKENS))).astype(jnp.int32) - 1)
    sample_ids = jnp.clip(sample_ids, 0, NTOKENS - 1)
    return {"inputs": inputs, "labels": labels, "W": W, "b": b, "sample_ids": sample_ids}


def reference(inputs, labels, W, b, sample_ids):
    true_freq = _expected_count(NSAMPLED, labels)
    sample_freq = _expected_count(NSAMPLED, sample_ids)
    # gathers from the [NTOKENS, NHID] table (SparseCore-friendly)
    true_weights = jnp.take(W, labels, axis=0)
    true_bias = jnp.take(b, labels, axis=0)
    sample_weights = jnp.take(W, sample_ids, axis=0)
    sample_bias = jnp.take(b, sample_ids, axis=0)
    true_logits = jnp.sum(inputs * true_weights, axis=1) + true_bias
    sample_logits = jnp.matmul(inputs, sample_weights.T) + sample_bias[None, :]
    # remove accidental matches
    acc = labels[:, None] == sample_ids[None, :]
    sample_logits = jnp.where(acc, jnp.float32(-1e37), sample_logits)
    true_logits = true_logits - jnp.log(true_freq)
    sample_logits = sample_logits - jnp.log(sample_freq)[None, :]
    logits = jnp.concatenate([true_logits[:, None], sample_logits], axis=1)
    new_targets = jnp.zeros((BATCH,), dtype=jnp.int32)
    return (logits, new_targets)

if __name__ == "__main__":
    import jax
    _d = setup_inputs()
    print(jax.jit(kernel)(*tuple(_d.values())))

</pallas_src>

<mosaic_0001>
#map = affine_map<(d0, d1) -> (0, 0)>
#map1 = affine_map<(d0, d1) -> (0)>
module attributes {stable_mosaic.version = 14 : i64} {
  func.func @body(%arg0: i32, %arg1: i32, %arg2: memref<1000000x128xf32, #tpu.memory_space<hbm>>, %arg3: memref<1000000xf32, #tpu.memory_space<hbm>>, %arg4: memref<4096xi32, #tpu.memory_space<hbm>>, %arg5: memref<8192xi32, #tpu.memory_space<hbm>>, %arg6: memref<4096x128xf32, #tpu.memory_space<hbm>>, %arg7: memref<4096xf32, #tpu.memory_space<hbm>>, %arg8: memref<8192x128xf32, #tpu.memory_space<hbm>>, %arg9: memref<8192xf32, #tpu.memory_space<hbm>>, %arg10: memref<128xi32, #tpu.memory_space<vmem>>, %arg11: memref<256xi32, #tpu.memory_space<vmem>>, %arg12: memref<128x128xf32, #tpu.memory_space<vmem>>, %arg13: memref<256x128xf32, #tpu.memory_space<vmem>>, %arg14: memref<128xf32, #tpu.memory_space<vmem>>, %arg15: memref<256xf32, #tpu.memory_space<vmem>>, %arg16: memref<!tpu.dma_semaphore, #tpu.memory_space<semaphore_mem>>) attributes {dimension_semantics = [#tpu.dimension_semantics<core_parallel>, #tpu.dimension_semantics<subcore_parallel>], iteration_bounds = array<i64: 2, 16>, scalar_prefetch = 0 : i64, scratch_operands = 7 : i64, tpu.core_type = #tpu.core_type<sc_vector_subcore>, window_params = [{transform_indices = #map}, {transform_indices = #map1}, {transform_indices = #map1}, {transform_indices = #map1}, {transform_indices = #map}, {transform_indices = #map1}, {transform_indices = #map}, {transform_indices = #map1}]} {
    %mul3A = arith.constant 2 : i32
    %mul3A_0 = arith.muli %arg1, %mul3A : i32
    %add3A = arith.addi %mul3A_0, %arg0 : i32
    %mul3A_1 = arith.constant 128 : i32
    %mul3A_2 = arith.muli %add3A, %mul3A_1 : i32
    "tpu.region"() ({
      %run_scoped3A = tpu.sem_alloc : memref<!tpu.dma_semaphore, #tpu.memory_space<semaphore_mem>>
      %dma_start3A_77 = tpu.memref_slice %arg4[%mul3A_2] : memref<4096xi32, #tpu.memory_space<hbm>> -> memref<128xi32, #tpu.memory_space<hbm>>
      %dma_start3A_78 = tpu.memref_slice %arg4[%mul3A_2] : memref<4096xi32, #tpu.memory_space<hbm>> -> memref<128xi32, #tpu.memory_space<hbm>>
      tpu.enqueue_dma source(%dma_start3A_78 : memref<128xi32, #tpu.memory_space<hbm>>) target(%arg10 : memref<128xi32, #tpu.memory_space<vmem>>) target_semaphore(%run_scoped3A : memref<!tpu.dma_semaphore, #tpu.memory_space<semaphore_mem>>)
      %dma_wait3A_79 = tpu.memref_slice %arg4[%mul3A_2] : memref<4096xi32, #tpu.memory_space<hbm>> -> memref<128xi32, #tpu.memory_space<hbm>>
      %dma_wait3A_80 = tpu.memref_slice %arg4[%mul3A_2] : memref<4096xi32, #tpu.memory_space<hbm>> -> memref<128xi32, #tpu.memory_space<hbm>>
      tpu.wait_dma2 semaphore(%run_scoped3A : memref<!tpu.dma_semaphore, #tpu.memory_space<semaphore_mem>>) src(%dma_wait3A_80 : memref<128xi32, #tpu.memory_space<hbm>>) dst(%arg10 : memref<128xi32, #tpu.memory_space<vmem>>)
      tpu.yield
    }) : () -> ()
    %mul3A_3 = arith.constant 256 : i32
    %mul3A_4 = arith.muli %add3A, %mul3A_3 : i32
    "tpu.region"() ({
      %run_scoped3A = tpu.sem_alloc : memref<!tpu.dma_semaphore, #tpu.memory_space<semaphore_mem>>
      %dma_start3A_77 = tpu.memref_slice %arg5[%mul3A_4] : memref<8192xi32, #tpu.memory_space<hbm>> -> memref<256xi32, #tpu.memory_space<hbm>>
      %dma_start3A_78 = tpu.memref_slice %arg5[%mul3A_4] : memref<8192xi32, #tpu.memory_space<hbm>> -> memref<256xi32, #tpu.memory_space<hbm>>
      tpu.enqueue_dma source(%dma_start3A_78 : memref<256xi32, #tpu.memory_space<hbm>>) target(%arg11 : memref<256xi32, #tpu.memory_space<vmem>>) target_semaphore(%run_scoped3A : memref<!tpu.dma_semaphore, #tpu.memory_space<semaphore_mem>>)
      %dma_wait3A_79 = tpu.memref_slice %arg5[%mul3A_4] : memref<8192xi32, #tpu.memory_space<hbm>> -> memref<256xi32, #tpu.memory_space<hbm>>
      %dma_wait3A_80 = tpu.memref_slice %arg5[%mul3A_4] : memref<8192xi32, #tpu.memory_space<hbm>> -> memref<256xi32, #tpu.memory_space<hbm>>
      tpu.wait_dma2 semaphore(%run_scoped3A : memref<!tpu.dma_semaphore, #tpu.memory_space<semaphore_mem>>) src(%dma_wait3A_80 : memref<256xi32, #tpu.memory_space<hbm>>) dst(%arg11 : memref<256xi32, #tpu.memory_space<vmem>>)
      tpu.yield
    }) : () -> ()
    %dma_start3A = arith.constant 0 : i32
    %dma_start3A_5 = arith.constant 0 : i32
    %dma_start3A_6 = tpu.memref_slice %arg2[%dma_start3A, %dma_start3A_5] : memref<1000000x128xf32, #tpu.memory_space<hbm>> -> memref<1000000x128xf32, #tpu.memory_space<hbm>>
    tpu.enqueue_indirect_dma source(%dma_start3A_6 : memref<1000000x128xf32, #tpu.memory_space<hbm>>) target(%arg12 : memref<128x128xf32, #tpu.memory_space<vmem>>) offsets(%arg10 : memref<128xi32, #tpu.memory_space<vmem>>) semaphore(%arg16 : memref<!tpu.dma_semaphore, #tpu.memory_space<semaphore_mem>>)
    %dma_start3A_7 = arith.constant 0 : i32
    %dma_start3A_8 = arith.constant 0 : i32
    %dma_start3A_9 = tpu.memref_slice %arg13[%dma_start3A_7, %dma_start3A_8] : memref<256x128xf32, #tpu.memory_space<vmem>> -> memref<128x128xf32, #tpu.memory_space<vmem>>
    %dma_start3A_10 = arith.constant 0 : i32
    %dma_start3A_11 = tpu.memref_slice %arg11[%dma_start3A_10] : memref<256xi32, #tpu.memory_space<vmem>> -> memref<128xi32, #tpu.memory_space<vmem>>
    %dma_start3A_12 = arith.constant 0 : i32
    %dma_start3A_13 = arith.constant 0 : i32
    %dma_start3A_14 = tpu.memref_slice %arg2[%dma_start3A_12, %dma_start3A_13] : memref<1000000x128xf32, #tpu.memory_space<hbm>> -> memref<1000000x128xf32, #tpu.memory_space<hbm>>
    tpu.enqueue_indirect_dma source(%dma_start3A_14 : memref<1000000x128xf32, #tpu.memory_space<hbm>>) target(%dma_start3A_9 : memref<128x128xf32, #tpu.memory_space<vmem>>) offsets(%dma_start3A_11 : memref<128xi32, #tpu.memory_space<vmem>>) semaphore(%arg16 : memref<!tpu.dma_semaphore, #tpu.memory_space<semaphore_mem>>)
    %dma_start3A_15 = arith.constant 128 : i32
    %dma_start3A_16 = arith.constant 0 : i32
    %dma_start3A_17 = tpu.memref_slice %arg13[%dma_start3A_15, %dma_start3A_16] : memref<256x128xf32, #tpu.memory_space<vmem>> -> memref<128x128xf32, #tpu.memory_space<vmem>>
    %dma_start3A_18 = arith.constant 128 : i32
    %dma_start3A_19 = tpu.memref_slice %arg11[%dma_start3A_18] : memref<256xi32, #tpu.memory_space<vmem>> -> memref<128xi32, #tpu.memory_space<vmem>>
    %dma_start3A_20 = arith.constant 0 : i32
    %dma_start3A_21 = arith.constant 0 : i32
    %dma_start3A_22 = tpu.memref_slice %arg2[%dma_start3A_20, %dma_start3A_21] : memref<1000000x128xf32, #tpu.memory_space<hbm>> -> memref<1000000x128xf32, #tpu.memory_space<hbm>>
    tpu.enqueue_indirect_dma source(%dma_start3A_22 : memref<1000000x128xf32, #tpu.memory_space<hbm>>) target(%dma_start3A_17 : memref<128x128xf32, #tpu.memory_space<vmem>>) offsets(%dma_start3A_19 : memref<128xi32, #tpu.memory_space<vmem>>) semaphore(%arg16 : memref<!tpu.dma_semaphore, #tpu.memory_space<semaphore_mem>>)
    %dma_start3A_23 = arith.constant 0 : i32
    %dma_start3A_24 = tpu.memref_slice %arg3[%dma_start3A_23] : memref<1000000xf32, #tpu.memory_space<hbm>> -> memref<1000000xf32, #tpu.memory_space<hbm>>
    tpu.enqueue_indirect_dma source(%dma_start3A_24 : memref<1000000xf32, #tpu.memory_space<hbm>>) target(%arg14 : memref<128xf32, #tpu.memory_space<vmem>>) offsets(%arg10 : memref<128xi32, #tpu.memory_space<vmem>>) semaphore(%arg16 : memref<!tpu.dma_semaphore, #tpu.memory_space<semaphore_mem>>)
    %dma_start3A_25 = arith.constant 0 : i32
    %dma_start3A_26 = tpu.memref_slice %arg15[%dma_start3A_25] : memref<256xf32, #tpu.memory_space<vmem>> -> memref<128xf32, #tpu.memory_space<vmem>>
    %dma_start3A_27 = arith.constant 0 : i32
    %dma_start3A_28 = tpu.memref_slice %arg11[%dma_start3A_27] : memref<256xi32, #tpu.memory_space<vmem>> -> memref<128xi32, #tpu.memory_space<vmem>>
    %dma_start3A_29 = arith.constant 0 : i32
    %dma_start3A_30 = tpu.memref_slice %arg3[%dma_start3A_29] : memref<1000000xf32, #tpu.memory_space<hbm>> -> memref<1000000xf32, #tpu.memory_space<hbm>>
    tpu.enqueue_indirect_dma source(%dma_start3A_30 : memref<1000000xf32, #tpu.memory_space<hbm>>) target(%dma_start3A_26 : memref<128xf32, #tpu.memory_space<vmem>>) offsets(%dma_start3A_28 : memref<128xi32, #tpu.memory_space<vmem>>) semaphore(%arg16 : memref<!tpu.dma_semaphore, #tpu.memory_space<semaphore_mem>>)
    %dma_start3A_31 = arith.constant 128 : i32
    %dma_start3A_32 = tpu.memref_slice %arg15[%dma_start3A_31] : memref<256xf32, #tpu.memory_space<vmem>> -> memref<128xf32, #tpu.memory_space<vmem>>
    %dma_start3A_33 = arith.constant 128 : i32
    %dma_start3A_34 = tpu.memref_slice %arg11[%dma_start3A_33] : memref<256xi32, #tpu.memory_space<vmem>> -> memref<128xi32, #tpu.memory_space<vmem>>
    %dma_start3A_35 = arith.constant 0 : i32
    %dma_start3A_36 = tpu.memref_slice %arg3[%dma_start3A_35] : memref<1000000xf32, #tpu.memory_space<hbm>> -> memref<1000000xf32, #tpu.memory_space<hbm>>
    tpu.enqueue_indirect_dma source(%dma_start3A_36 : memref<1000000xf32, #tpu.memory_space<hbm>>) target(%dma_start3A_32 : memref<128xf32, #tpu.memory_space<vmem>>) offsets(%dma_start3A_34 : memref<128xi32, #tpu.memory_space<vmem>>) semaphore(%arg16 : memref<!tpu.dma_semaphore, #tpu.memory_space<semaphore_mem>>)
    %dma_wait3A = arith.constant 0 : i32
    %dma_wait3A_37 = arith.constant 0 : i32
    %dma_wait3A_38 = tpu.memref_slice %arg2[%dma_wait3A, %dma_wait3A_37] : memref<1000000x128xf32, #tpu.memory_space<hbm>> -> memref<1000000x128xf32, #tpu.memory_space<hbm>>
    tpu.wait_indirect_dma semaphore(%arg16 : memref<!tpu.dma_semaphore, #tpu.memory_space<semaphore_mem>>) src(%dma_wait3A_38 : memref<1000000x128xf32, #tpu.memory_space<hbm>>) dst(%arg12 : memref<128x128xf32, #tpu.memory_space<vmem>>)
    %dma_wait3A_39 = arith.constant 0 : i32
    %dma_wait3A_40 = arith.constant 0 : i32
    %dma_wait3A_41 = tpu.memref_slice %arg13[%dma_wait3A_39, %dma_wait3A_40] : memref<256x128xf32, #tpu.memory_space<vmem>> -> memref<128x128xf32, #tpu.memory_space<vmem>>
    %dma_wait3A_42 = arith.constant 0 : i32
    %dma_wait3A_43 = tpu.memref_slice %arg11[%dma_wait3A_42] : memref<256xi32, #tpu.memory_space<vmem>> -> memref<128xi32, #tpu.memory_space<vmem>>
    %dma_wait3A_44 = arith.constant 0 : i32
    %dma_wait3A_45 = arith.constant 0 : i32
    %dma_wait3A_46 = tpu.memref_slice %arg2[%dma_wait3A_44, %dma_wait3A_45] : memref<1000000x128xf32, #tpu.memory_space<hbm>> -> memref<1000000x128xf32, #tpu.memory_space<hbm>>
    tpu.wait_indirect_dma semaphore(%arg16 : memref<!tpu.dma_semaphore, #tpu.memory_space<semaphore_mem>>) src(%dma_wait3A_46 : memref<1000000x128xf32, #tpu.memory_space<hbm>>) dst(%dma_wait3A_41 : memref<128x128xf32, #tpu.memory_space<vmem>>)
    %dma_wait3A_47 = arith.constant 128 : i32
    %dma_wait3A_48 = arith.constant 0 : i32
    %dma_wait3A_49 = tpu.memref_slice %arg13[%dma_wait3A_47, %dma_wait3A_48] : memref<256x128xf32, #tpu.memory_space<vmem>> -> memref<128x128xf32, #tpu.memory_space<vmem>>
    %dma_wait3A_50 = arith.constant 128 : i32
    %dma_wait3A_51 = tpu.memref_slice %arg11[%dma_wait3A_50] : memref<256xi32, #tpu.memory_space<vmem>> -> memref<128xi32, #tpu.memory_space<vmem>>
    %dma_wait3A_52 = arith.constant 0 : i32
    %dma_wait3A_53 = arith.constant 0 : i32
    %dma_wait3A_54 = tpu.memref_slice %arg2[%dma_wait3A_52, %dma_wait3A_53] : memref<1000000x128xf32, #tpu.memory_space<hbm>> -> memref<1000000x128xf32, #tpu.memory_space<hbm>>
    tpu.wait_indirect_dma semaphore(%arg16 : memref<!tpu.dma_semaphore, #tpu.memory_space<semaphore_mem>>) src(%dma_wait3A_54 : memref<1000000x128xf32, #tpu.memory_space<hbm>>) dst(%dma_wait3A_49 : memref<128x128xf32, #tpu.memory_space<vmem>>)
    %dma_wait3A_55 = arith.constant 0 : i32
    %dma_wait3A_56 = tpu.memref_slice %arg3[%dma_wait3A_55] : memref<1000000xf32, #tpu.memory_space<hbm>> -> memref<1000000xf32, #tpu.memory_space<hbm>>
    tpu.wait_indirect_dma semaphore(%arg16 : memref<!tpu.dma_semaphore, #tpu.memory_space<semaphore_mem>>) src(%dma_wait3A_56 : memref<1000000xf32, #tpu.memory_space<hbm>>) dst(%arg14 : memref<128xf32, #tpu.memory_space<vmem>>)
    %dma_wait3A_57 = arith.constant 0 : i32
    %dma_wait3A_58 = tpu.memref_slice %arg15[%dma_wait3A_57] : memref<256xf32, #tpu.memory_space<vmem>> -> memref<128xf32, #tpu.memory_space<vmem>>
    %dma_wait3A_59 = arith.constant 0 : i32
    %dma_wait3A_60 = tpu.memref_slice %arg11[%dma_wait3A_59] : memref<256xi32, #tpu.memory_space<vmem>> -> memref<128xi32, #tpu.memory_space<vmem>>
    %dma_wait3A_61 = arith.constant 0 : i32
    %dma_wait3A_62 = tpu.memref_slice %arg3[%dma_wait3A_61] : memref<1000000xf32, #tpu.memory_space<hbm>> -> memref<1000000xf32, #tpu.memory_space<hbm>>
    tpu.wait_indirect_dma semaphore(%arg16 : memref<!tpu.dma_semaphore, #tpu.memory_space<semaphore_mem>>) src(%dma_wait3A_62 : memref<1000000xf32, #tpu.memory_space<hbm>>) dst(%dma_wait3A_58 : memref<128xf32, #tpu.memory_space<vmem>>)
    %dma_wait3A_63 = arith.constant 128 : i32
    %dma_wait3A_64 = tpu.memref_slice %arg15[%dma_wait3A_63] : memref<256xf32, #tpu.memory_space<vmem>> -> memref<128xf32, #tpu.memory_space<vmem>>
    %dma_wait3A_65 = arith.constant 128 : i32
    %dma_wait3A_66 = tpu.memref_slice %arg11[%dma_wait3A_65] : memref<256xi32, #tpu.memory_space<vmem>> -> memref<128xi32, #tpu.memory_space<vmem>>
    %dma_wait3A_67 = arith.constant 0 : i32
    %dma_wait3A_68 = tpu.memref_slice %arg3[%dma_wait3A_67] : memref<1000000xf32, #tpu.memory_space<hbm>> -> memref<1000000xf32, #tpu.memory_space<hbm>>
    tpu.wait_indirect_dma semaphore(%arg16 : memref<!tpu.dma_semaphore, #tpu.memory_space<semaphore_mem>>) src(%dma_wait3A_68 : memref<1000000xf32, #tpu.memory_space<hbm>>) dst(%dma_wait3A_64 : memref<128xf32, #tpu.memory_space<vmem>>)
    %mul3A_69 = arith.constant 128 : i32
    %mul3A_70 = arith.muli %add3A, %mul3A_69 : i32
    "tpu.region"() ({
      %run_scoped3A = tpu.sem_alloc : memref<!tpu.dma_semaphore, #tpu.memory_space<semaphore_mem>>
      %dma_start3A_77 = arith.constant 0 : i32
      %dma_start3A_78 = tpu.memref_slice %arg6[%mul3A_70, %dma_start3A_77] : memref<4096x128xf32, #tpu.memory_space<hbm>> -> memref<128x128xf32, #tpu.memory_space<hbm>>
      %dma_start3A_79 = arith.constant 0 : i32
      %dma_start3A_80 = tpu.memref_slice %arg6[%mul3A_70, %dma_start3A_79] : memref<4096x128xf32, #tpu.memory_space<hbm>> -> memref<128x128xf32, #tpu.memory_space<hbm>>
      tpu.enqueue_dma source(%arg12 : memref<128x128xf32, #tpu.memory_space<vmem>>) target(%dma_start3A_80 : memref<128x128xf32, #tpu.memory_space<hbm>>) target_semaphore(%run_scoped3A : memref<!tpu.dma_semaphore, #tpu.memory_space<semaphore_mem>>)
      %dma_wait3A_81 = arith.constant 0 : i32
      %dma_wait3A_82 = tpu.memref_slice %arg6[%mul3A_70, %dma_wait3A_81] : memref<4096x128xf32, #tpu.memory_space<hbm>> -> memref<128x128xf32, #tpu.memory_space<hbm>>
      %dma_wait3A_83 = arith.constant 0 : i32
      %dma_wait3A_84 = tpu.memref_slice %arg6[%mul3A_70, %dma_wait3A_83] : memref<4096x128xf32, #tpu.memory_space<hbm>> -> memref<128x128xf32, #tpu.memory_space<hbm>>
      tpu.wait_dma2 semaphore(%run_scoped3A : memref<!tpu.dma_semaphore, #tpu.memory_space<semaphore_mem>>) src(%arg12 : memref<128x128xf32, #tpu.memory_space<vmem>>) dst(%dma_wait3A_84 : memref<128x128xf32, #tpu.memory_space<hbm>>)
      tpu.yield
    }) : () -> ()
    %mul3A_71 = arith.constant 256 : i32
    %mul3A_72 = arith.muli %add3A, %mul3A_71 : i32
    "tpu.region"() ({
      %run_scoped3A = tpu.sem_alloc : memref<!tpu.dma_semaphore, #tpu.memory_space<semaphore_mem>>
      %dma_start3A_77 = arith.constant 0 : i32
      %dma_start3A_78 = tpu.memref_slice %arg8[%mul3A_72, %dma_start3A_77] : memref<8192x128xf32, #tpu.memory_space<hbm>> -> memref<256x128xf32, #tpu.memory_space<hbm>>
      %dma_start3A_79 = arith.constant 0 : i32
      %dma_start3A_80 = tpu.memref_slice %arg8[%mul3A_72, %dma_start3A_79] : memref<8192x128xf32, #tpu.memory_space<hbm>> -> memref<256x128xf32, #tpu.memory_space<hbm>>
      tpu.enqueue_dma source(%arg13 : memref<256x128xf32, #tpu.memory_space<vmem>>) target(%dma_start3A_80 : memref<256x128xf32, #tpu.memory_space<hbm>>) target_semaphore(%run_scoped3A : memref<!tpu.dma_semaphore, #tpu.memory_space<semaphore_mem>>)
      %dma_wait3A_81 = arith.constant 0 : i32
      %dma_wait3A_82 = tpu.memref_slice %arg8[%mul3A_72, %dma_wait3A_81] : memref<8192x128xf32, #tpu.memory_space<hbm>> -> memref<256x128xf32, #tpu.memory_space<hbm>>
      %dma_wait3A_83 = arith.constant 0 : i32
      %dma_wait3A_84 = tpu.memref_slice %arg8[%mul3A_72, %dma_wait3A_83] : memref<8192x128xf32, #tpu.memory_space<hbm>> -> memref<256x128xf32, #tpu.memory_space<hbm>>
      tpu.wait_dma2 semaphore(%run_scoped3A : memref<!tpu.dma_semaphore, #tpu.memory_space<semaphore_mem>>) src(%arg13 : memref<256x128xf32, #tpu.memory_space<vmem>>) dst(%dma_wait3A_84 : memref<256x128xf32, #tpu.memory_space<hbm>>)
      tpu.yield
    }) : () -> ()
    %mul3A_73 = arith.constant 128 : i32
    %mul3A_74 = arith.muli %add3A, %mul3A_73 : i32
    "tpu.region"() ({
      %run_scoped3A = tpu.sem_alloc : memref<!tpu.dma_semaphore, #tpu.memory_space<semaphore_mem>>
      %dma_start3A_77 = tpu.memref_slice %arg7[%mul3A_74] : memref<4096xf32, #tpu.memory_space<hbm>> -> memref<128xf32, #tpu.memory_space<hbm>>
      %dma_start3A_78 = tpu.memref_slice %arg7[%mul3A_74] : memref<4096xf32, #tpu.memory_space<hbm>> -> memref<128xf32, #tpu.memory_space<hbm>>
      tpu.enqueue_dma source(%arg14 : memref<128xf32, #tpu.memory_space<vmem>>) target(%dma_start3A_78 : memref<128xf32, #tpu.memory_space<hbm>>) target_semaphore(%run_scoped3A : memref<!tpu.dma_semaphore, #tpu.memory_space<semaphore_mem>>)
      %dma_wait3A_79 = tpu.memref_slice %arg7[%mul3A_74] : memref<4096xf32, #tpu.memory_space<hbm>> -> memref<128xf32, #tpu.memory_space<hbm>>
      %dma_wait3A_80 = tpu.memref_slice %arg7[%mul3A_74] : memref<4096xf32, #tpu.memory_space<hbm>> -> memref<128xf32, #tpu.memory_space<hbm>>
      tpu.wait_dma2 semaphore(%run_scoped3A : memref<!tpu.dma_semaphore, #tpu.memory_space<semaphore_mem>>) src(%arg14 : memref<128xf32, #tpu.memory_space<vmem>>) dst(%dma_wait3A_80 : memref<128xf32, #tpu.memory_space<hbm>>)
      tpu.yield
    }) : () -> ()
    %mul3A_75 = arith.constant 256 : i32
    %mul3A_76 = arith.muli %add3A, %mul3A_75 : i32
    "tpu.region"() ({
      %run_scoped3A = tpu.sem_alloc : memref<!tpu.dma_semaphore, #tpu.memory_space<semaphore_mem>>
      %dma_start3A_77 = tpu.memref_slice %arg9[%mul3A_76] : memref<8192xf32, #tpu.memory_space<hbm>> -> memref<256xf32, #tpu.memory_space<hbm>>
      %dma_start3A_78 = tpu.memref_slice %arg9[%mul3A_76] : memref<8192xf32, #tpu.memory_space<hbm>> -> memref<256xf32, #tpu.memory_space<hbm>>
      tpu.enqueue_dma source(%arg15 : memref<256xf32, #tpu.memory_space<vmem>>) target(%dma_start3A_78 : memref<256xf32, #tpu.memory_space<hbm>>) target_semaphore(%run_scoped3A : memref<!tpu.dma_semaphore, #tpu.memory_space<semaphore_mem>>)
      %dma_wait3A_79 = tpu.memref_slice %arg9[%mul3A_76] : memref<8192xf32, #tpu.memory_space<hbm>> -> memref<256xf32, #tpu.memory_space<hbm>>
      %dma_wait3A_80 = tpu.memref_slice %arg9[%mul3A_76] : memref<8192xf32, #tpu.memory_space<hbm>> -> memref<256xf32, #tpu.memory_space<hbm>>
      tpu.wait_dma2 semaphore(%run_scoped3A : memref<!tpu.dma_semaphore, #tpu.memory_space<semaphore_mem>>) src(%arg15 : memref<256xf32, #tpu.memory_space<vmem>>) dst(%dma_wait3A_80 : memref<256xf32, #tpu.memory_space<hbm>>)
      tpu.yield
    }) : () -> ()
    return
  }
}

module attributes {stable_mosaic.version = 14 : i64} {
  func.func @_mm_body(%arg0: i32, %arg1: memref<4096x128xf32, #tpu.memory_space<vmem>>, %arg2: memref<4096x128xf32, #tpu.memory_space<vmem>>, %arg3: memref<1x4096xf32, #tpu.memory_space<vmem>>, %arg4: memref<1x4096xi32, #tpu.memory_space<vmem>>, %arg5: memref<512x128xf32, #tpu.memory_space<vmem>>, %arg6: memref<512x2xf32, #tpu.memory_space<vmem>>, %arg7: memref<512x4096xf32, #tpu.memory_space<vmem>>) attributes {dimension_semantics = [#tpu.dimension_semantics<arbitrary>], iteration_bounds = array<i64: 17>, scalar_prefetch = 0 : i64, scratch_operands = 0 : i64, tpu.core_type = #tpu.core_type<tc>, window_params = [{pipeline_mode = #tpu.pipeline_mode<synchronous>, transform_indices = @transform_0, window_bounds = array<i64: 4096, 128>}, {pipeline_mode = #tpu.pipeline_mode<synchronous>, transform_indices = @transform_1, window_bounds = array<i64: 4096, 128>}, {pipeline_mode = #tpu.pipeline_mode<synchronous>, transform_indices = @transform_2, window_bounds = array<i64: 1, 4096>}, {pipeline_mode = #tpu.pipeline_mode<synchronous>, transform_indices = @transform_3, window_bounds = array<i64: 1, 4096>}, {transform_indices = @transform_4, window_bounds = array<i64: 512, 128>}, {transform_indices = @transform_5, window_bounds = array<i64: 512, 2>}, {transform_indices = @transform_6, window_bounds = array<i64: 512, 4096>}]} {
    %get3A = arith.constant 0 : index
    %get3A_0 = arith.constant 0 : index
    %get3A_1 = vector.load %arg1[%get3A, %get3A_0] : memref<4096x128xf32, #tpu.memory_space<vmem>>, vector<4096x128xf32>
    %get3A_2 = arith.constant 0 : index
    %get3A_3 = arith.constant 0 : index
    %get3A_4 = vector.load %arg5[%get3A_2, %get3A_3] : memref<512x128xf32, #tpu.memory_space<vmem>>, vector<512x128xf32>
    %dot_general3A = arith.constant dense<0.000000e+00> : vector<512x4096xf32>
    %dot_general3A_5 = tpu.matmul %get3A_4, %get3A_1, %dot_general3A {dimension_numbers = #tpu.dot_dimension_numbers<[1], [1], [0], [0], [0, 0, 1, 0], [], []>, transpose_lhs_hint = false} : vector<512x128xf32>, vector<4096x128xf32>, vector<512x4096xf32> -> vector<512x4096xf32>
    %get3A_6 = arith.constant 0 : index
    %get3A_7 = arith.constant 0 : index
    %get3A_8 = vector.load %arg6[%get3A_6, %get3A_7] : memref<512x2xf32, #tpu.memory_space<vmem>>, vector<512x2xf32>
    %slice3A = vector.extract_strided_slice %get3A_8 {offsets = [0, 1], sizes = [512, 1], strides = [1, 1]} : vector<512x2xf32> to vector<512x1xf32>
    %bitcast_convert_type3A = tpu.bitcast %slice3A : vector<512x1xf32> -> vector<512x1xi32>
    %slice3A_9 = vector.extract_strided_slice %get3A_8 {offsets = [0, 0], sizes = [512, 1], strides = [1, 1]} : vector<512x2xf32> to vector<512x1xf32>
    %add3A = vector.broadcast %slice3A_9 : vector<512x1xf32> to vector<512x4096xf32>
    %add3A_10 = arith.addf %dot_general3A_5, %add3A : vector<512x4096xf32>
    %get3A_11 = arith.constant 0 : index
    %get3A_12 = arith.constant 0 : index
    %get3A_13 = vector.load %arg4[%get3A_11, %get3A_12] : memref<1x4096xi32, #tpu.memory_space<vmem>>, vector<1x4096xi32>
    %eq3A = vector.broadcast %bitcast_convert_type3A : vector<512x1xi32> to vector<512x4096xi32>
    %eq3A_14 = vector.broadcast %get3A_13 : vector<1x4096xi32> to vector<512x4096xi32>
    %eq3A_15 = arith.cmpi eq, %eq3A, %eq3A_14 : vector<512x4096xi32>
    %jit3A = arith.constant -9.99999993E+36 : f32
    %broadcast_in_dim3A = vector.broadcast %jit3A : f32 to vector<512x4096xf32>
    %select_n3A = arith.select %eq3A_15, %broadcast_in_dim3A, %add3A_10 : vector<512x4096xi1>, vector<512x4096xf32>
    %swap3A = arith.constant 0 : index
    %swap3A_16 = arith.constant 0 : index
    %swap3A_17 = vector.load %arg7[%swap3A, %swap3A_16] : memref<512x4096xf32, #tpu.memory_space<vmem>>, vector<512x4096xf32>
    tpu.vector_store %arg7[%swap3A, %swap3A_16], %select_n3A {strides = array<i32>} : memref<512x4096xf32, #tpu.memory_space<vmem>>, vector<512x4096xf32>,
    %eq3A_18 = arith.constant 0 : i32
    %eq3A_19 = arith.cmpi eq, %arg0, %eq3A_18 : i32
    %convert_element_type3A = arith.extui %eq3A_19 : i1 to i32
    %cond3A = arith.constant 0 : i32
    %cond3A_20 = arith.cmpi ne, %convert_element_type3A, %cond3A : i32
    scf.if %cond3A_20 {
      %get3A_21 = arith.constant 0 : index
      %get3A_22 = arith.constant 0 : index
      %get3A_23 = vector.load %arg2[%get3A_21, %get3A_22] : memref<4096x128xf32, #tpu.memory_space<vmem>>, vector<4096x128xf32>
      %mul3A = arith.mulf %get3A_1, %get3A_23 : vector<4096x128xf32>
      %broadcast_in_dim3A_24 = arith.constant 1.000000e+00 : f32
      %broadcast_in_dim3A_25 = vector.broadcast %broadcast_in_dim3A_24 : f32 to vector<1x128xf32>
      %dot_general3A_26 = arith.constant dense<0.000000e+00> : vector<1x4096xf32>
      %dot_general3A_27 = tpu.matmul %broadcast_in_dim3A_25, %mul3A, %dot_general3A_26 {dimension_numbers = #tpu.dot_dimension_numbers<[1], [1], [0], [0], [0, 0, 1, 0], [], []>, transpose_lhs_hint = false} : vector<1x128xf32>, vector<4096x128xf32>, vector<1x4096xf32> -> vector<1x4096xf32>
      %get3A_28 = arith.constant 0 : index
      %get3A_29 = arith.constant 0 : index
      %get3A_30 = vector.load %arg3[%get3A_28, %get3A_29] : memref<1x4096xf32, #tpu.memory_space<vmem>>, vector<1x4096xf32>
      %add3A_31 = arith.addf %dot_general3A_27, %get3A_30 : vector<1x4096xf32>
      %swap3A_32 = arith.constant 0 : index
      %swap3A_33 = arith.constant 0 : index
      %swap3A_34 = vector.load %arg7[%swap3A_32, %swap3A_33] : memref<512x4096xf32, #tpu.memory_space<vmem>>, vector<1x4096xf32>
      tpu.vector_store %arg7[%swap3A_32, %swap3A_33], %add3A_31 {strides = array<i32>} : memref<512x4096xf32, #tpu.memory_space<vmem>>, vector<1x4096xf32>,
    } else {
    }
    return
  }
  func.func @transform_0(%arg0: i32) -> (i32, i32) {
    %c0_i32 = arith.constant 0 : i32
    %c0_i32_0 = arith.constant 0 : i32
    %c0_i32_1 = arith.constant 0 : i32
    return %c0_i32, %c0_i32_0 : i32, i32
  }
  func.func @transform_1(%arg0: i32) -> (i32, i32) {
    %c0_i32 = arith.constant 0 : i32
    %c0_i32_0 = arith.constant 0 : i32
    %c0_i32_1 = arith.constant 0 : i32
    return %c0_i32, %c0_i32_0 : i32, i32
  }
  func.func @transform_2(%arg0: i32) -> (i32, i32) {
    %c0_i32 = arith.constant 0 : i32
    %c0_i32_0 = arith.constant 0 : i32
    %c0_i32_1 = arith.constant 0 : i32
    return %c0_i32, %c0_i32_0 : i32, i32
  }
  func.func @transform_3(%arg0: i32) -> (i32, i32) {
    %c0_i32 = arith.constant 0 : i32
    %c0_i32_0 = arith.constant 0 : i32
    %c0_i32_1 = arith.constant 0 : i32
    return %c0_i32, %c0_i32_0 : i32, i32
  }
  func.func @transform_4(%arg0: i32) -> (i32, i32) {
    %c0_i32 = arith.constant 0 : i32
    %c0_i32_0 = arith.constant 0 : i32
    return %arg0, %c0_i32 : i32, i32
  }
  func.func @transform_5(%arg0: i32) -> (i32, i32) {
    %c0_i32 = arith.constant 0 : i32
    %c0_i32_0 = arith.constant 0 : i32
    return %arg0, %c0_i32 : i32, i32
  }
  func.func @transform_6(%arg0: i32) -> (i32, i32) {
    %c0_i32 = arith.constant 0 : i32
    %c0_i32_0 = arith.constant 0 : i32
    return %arg0, %c0_i32 : i32, i32
  }
}

</mosaic_0001>

<sc_bundles>
// kernel: kernel.4.cloned.1.call-start
scs
__scs_entry_jumppad:
0x0: {  	(pc) =	sbr.rel $0x88, $3  }
0x1: {  	(tag) =	ssettag $0x0;
	lr =	simm.s32 $0x1  }
0x2: {  	[smem:$0x3F9C] =	sst lr;
	_ =	strace $0xD0000000  }
0x3: {  	_ = 	snop  }
0x4: {  	_ = 	snop  }
0x5: {  	_ = 	snop  }
0x6: {  	_ = 	snop  }
0x7: {  	_ = 	snop  }
__scs_overlays_trampoline_lowered:
0x8: {  	[smem:$0x3FAB] =	sst s0  }
0x9: {  	[smem:$0x3FAC] =	sst s1  }
0xa: {  	[smem:$0x3FAD] =	sst s2  }
0xb: {  	[smem:$0x3FAE] =	sst s3  }
0xc: {  	[smem:$0x3FAF] =	sst s4  }
0xd: {  	[smem:$0x3FB0] =	sst s5  }
0xe: {  	[smem:$0x3FB1] =	sst s6  }
0xf: {  	[smem:$0x3FB2] =	sst s7  }
0x10: {  	[smem:$0x3FB3] =	sst s8  }
0x11: {  	[smem:$0x3FB4] =	sst s9;
	s0 =	simm.s32 @!p0 $0x0  }
0x12: {  	s1 =	sld [smem:$0x3F9A];
	s0 =	simm.s32 @p0 $0x1  }
0x13: {  	[smem:$0x3FB5] =	sst s0;
	s0 =	simm.s32 @!p1 $0x0  }
0x14: {  	s2 =	sld [smem:$0x3F99];
	s0 =	simm.s32 @p1 $0x1  }
0x15: {  	[smem:$0x3FB6] =	sst s0;
	s0 =	simm.s32 @!p2 $0x0  }
0x16: {  	s3 =	sld [smem:$0x3FDB];
	s0 =	simm.s32 @p2 $0x1  }
0x17: {  	s4 =	simm.s32 $0x1BF5;
	[smem:$0x3FB8] =	sst s0  }
0x18: {  	s0 =	sld [smem:$0x3F9B];
	_ =	swait.ge [sflag:s4], $0x0  }
0x19: {  	s7 =	sld [smem:$0x3F9C]  }
0x1a: {  	s8 =	sadd.s32 $0xFFFFE003, lr  }
0x1b: {  	s9 =	sadd.s32 $0xFFFFFEF7, lr;
	s5 =	simm.s32 $0xFFFFFFFF;
	p2 =	slt.u32 s8, $0xFFFFF086  }
0x1c: {  	p1 =	slt.u32 s9, $0xF7A;
	s5 =	simm.s32 @!p2 $0x0  }
0x1d: {  	s5 =	simm.s32 @p1 $0x1;
	p0 =	seq.s32 s7, s2  }
0x1e: {  	s7 =	smul.u32 @!p0 $0xF7A, s2;
	p2 =	seq.s32 @!p0 s5, $0x0  }
0x1f: {  	s9 =	smul.u32 $0xF7A, s1;
	s8 =	simm.s32 @!p0 $0x1BF5;
	p2 =	por !p2, p0  }
0x20: {  	[sflag:s8] =	ssyncset.s32 @!p0 $0xFFFFF086;
	s6 =	sadd.s32 @!p0 s3, s7;
	s7 =	simm.s32 @!p0 $0x108  }
0x21: {  	s3 =	sadd.s32 s3, s9;
	s6 =	sadd.s32 @!p0 $0x88, s6;
	s7 =	simm.s32 @p2 $0x1082  }
0x22: {  	[simem:s7], [sflag:s8] =	dma.local @!p0 [hbm:s6], $0xF7A  }
0x23: {  	s9 =	sor.u32 $0xD0000000, s2;
	s6 =	simm.s32 $0x108;
	_ =	swait.ge @!p0 [sflag:s8], $0x0  }
0x24: {  	s3 =	sadd.s32 $0x88, s3;
	s6 =	simm.s32 @!p1 $0x1082;
	[sflag:s4] =	ssyncset.s32 $0xFFFFF086  }
0x25: {  	[simem:s6], [sflag:s4] =	dma.local [hbm:s3], $0xF7A  }
0x26: {  	[smem:$0x3F9C] =	sst s1;
	(tag) =	ssettag s2;
	_ =	strace s9  }
0x27: {  	s1 =	sld [smem:$0x3FAC]  }
0x28: {  	s2 =	sld [smem:$0x3FAD]  }
0x29: {  	s4 =	sld [smem:$0x3FAF]  }
0x2a: {  	p0 =	seq.s32 s5, $0x0;
	s5 =	sld [smem:$0x3FB0]  }
0x2b: {  	s6 =	sld [smem:$0x3FB1]  }
0x2c: {  	s7 =	sld [smem:$0x3FB2]  }
0x2d: {  	s3 =	simm.s32 $0x108;
	s8 =	sld [smem:$0x3FB3]  }
0x2e: {  	s3 =	simm.s32 @!p0 $0x1082;
	s9 =	sld [smem:$0x3FB4]  }
0x2f: {  	lr =	sadd.s32 s0, s3;
	s0 =	sld [smem:$0x3FAB]  }
0x30: {  	s3 =	sld [smem:$0x3FAE]  }
0x31: {  	[smem:$0x3FB7] =	sst s10  }
0x32: {  	s10 =	sld [smem:$0x3FB5];
	_ =	sdelay $0x3  }
0x33: {  	p0 =	seq.s32 s10, $0x1;
	s10 =	sld [smem:$0x3FB7];
	_ =	sdelay $0x3  }
0x34: {  	[smem:$0x3FB7] =	sst s10  }
0x35: {  	s10 =	sld [smem:$0x3FB6];
	_ =	sdelay $0x3  }
0x36: {  	p1 =	seq.s32 s10, $0x1;
	s10 =	sld [smem:$0x3FB7];
	_ =	sdelay $0x3  }
0x37: {  	[smem:$0x3FB7] =	sst s10  }
0x38: {  	s10 =	sld [smem:$0x3FB8]  }
0x39: {  	_ = 	snop;
	(pc) =	sbr.ind lr, $3  }
0x3a: {  	_ = 	snop  }
0x3b: {  	_ = 	snop  }
0x3c: {  	p2 =	seq.s32 s10, $0x1;
	s10 =	sld [smem:$0x3FB7]  }
0x3d: {  	_ =	shalt  }
0x3e: {  	_ =	shalt  }
0x3f: {  	_ =	shalt  }
0x40: {  	_ =	shalt  }
0x41: {  	_ =	shalt  }
0x42: {  	_ =	shalt  }
0x43: {  	_ =	shalt  }
0x44: {  	_ =	shalt  }
0x45: {  	_ =	shalt  }
0x46: {  	_ =	shalt  }
0x47: {  	_ =	shalt  }
0x48: {  	_ =	shalt  }
0x49: {  	_ =	shalt  }
0x4a: {  	_ =	shalt  }
0x4b: {  	_ =	shalt  }
0x4c: {  	_ =	shalt  }
0x4d: {  	_ =	shalt  }
0x4e: {  	_ =	shalt  }
0x4f: {  	_ =	shalt  }
0x50: {  	_ =	shalt  }
0x51: {  	_ =	shalt  }
0x52: {  	_ =	shalt  }
0x53: {  	_ =	shalt  }
0x54: {  	_ =	shalt  }
0x55: {  	_ =	shalt  }
0x56: {  	_ =	shalt  }
0x57: {  	_ =	shalt  }
0x58: {  	_ =	shalt  }
0x59: {  	_ =	shalt  }
0x5a: {  	_ =	shalt  }
0x5b: {  	_ =	shalt  }
0x5c: {  	_ =	shalt  }
0x5d: {  	_ =	shalt  }
0x5e: {  	_ =	shalt  }
0x5f: {  	_ =	shalt  }
0x60: {  	_ =	shalt  }
0x61: {  	_ =	shalt  }
0x62: {  	_ =	shalt  }
0x63: {  	_ =	shalt  }
0x64: {  	_ =	shalt  }
0x65: {  	_ =	shalt  }
0x66: {  	_ =	shalt  }
0x67: {  	_ =	shalt  }
0x68: {  	_ =	shalt  }
0x69: {  	_ =	shalt  }
0x6a: {  	_ =	shalt  }
0x6b: {  	_ =	shalt  }
0x6c: {  	_ =	shalt  }
0x6d: {  	_ =	shalt  }
0x6e: {  	_ =	shalt  }
0x6f: {  	_ =	shalt  }
0x70: {  	_ =	shalt  }
0x71: {  	_ =	shalt  }
0x72: {  	_ =	shalt  }
0x73: {  	_ =	shalt  }
0x74: {  	_ =	shalt  }
0x75: {  	_ =	shalt  }
0x76: {  	_ =	shalt  }
0x77: {  	_ =	shalt  }
0x78: {  	_ =	shalt  }
0x79: {  	_ =	shalt  }
0x7a: {  	_ =	shalt  }
0x7b: {  	_ =	shalt  }
0x7c: {  	_ =	shalt  }
0x7d: {  	_ =	shalt  }
0x7e: {  	_ =	shalt  }
0x7f: {  	_ =	shalt  }
0x80: {  	_ =	shalt  }
0x81: {  	_ =	shalt  }
0x82: {  	_ =	shalt  }
0x83: {  	_ =	shalt  }
0x84: {  	_ =	shalt  }
0x85: {  	_ =	shalt  }
0x86: {  	_ =	shalt  }
0x87: {  	_ =	shalt  }
.Lfunc_end0:
.L_simem_size_0:
called_computation_lowered:
.L_overlay_start_0:
0x88: {  	s2 =	sld [smem:$0x3FD9]  }
0x89: {  	s3 =	sld [smem:$0x3FFE];
	_ =	sdelay $0x1  }
0x8a: {  	s1 =	srdreg.scid  }
0x8b: {  	s0 =	sand.u32 $0x1, s1  }
0x8c: {  	s14 =	sshll.u32 s0, $0xA;
	s2 =	sadd.s32 s3, s2  }
0x8d: {  	s2 =	sadd.s32 s2, s14  }
0x8e: {  	[smem:$0x3FC3] =	sst s2  }
0x8f: {  	_ = 	snop  }
0x90: {  	s2 =	sld [smem:$0x3FC8]  }
0x91: {  	s15 =	sld [smem:$0x3FD0]  }
0x92: {  	s4 =	sld [smem:$0x3FC7]  }
0x93: {  	s5 =	sld [smem:$0x3FC6]  }
0x94: {  	s7 =	simm.s32 $0xA;
	s8 =	simm.s32 $0x10;
	s6 =	sld [smem:$0x3FC5]  }
0x95: {  	[smem:s8], [sflag:s7] =	dma.local [hbm:s15], $0x1  }
0x96: {  	_ =	swait.eq [sflag:s7], $0x1  }
0x97: {  	[sflag:s7] =	ssyncset.done $0x0  }
0x98: {  	s16 =	sld [smem:$0x10];
	[sflag:s7] =	ssyncadd.s32 $0xFFFFFFFF  }
0x99: {  	s17 =	sld [smem:$0x11];
	(tm) =	ssettm $0x1  }
0x9a: {  	s18 =	sld [smem:$0x3FFB];
	_ =	sdelay $0x3  }
0x9b: {  	_ =	strace s18  }
0x9c: {  	s8 =	sld [smem:$0x3FFC];
	_ =	sdelay $0x3  }
0x9d: {  	_ =	strace s8  }
0x9e: {  	s8 =	sld [smem:$0x3FFD];
	_ =	sdelay $0x3  }
0x9f: {  	_ =	strace s8  }
0xa0: {  	_ =	strace $0x8FFFFFFF  }
0xa1: {  	s19 =	sld [smem:$0x3FDB];
	_ =	sdelay $0x1  }
0xa2: {  	s9 =	simm.s32 $_scs_section_size  }
0xa3: {  	s10 =	simm.s32 $_size__tile_overlayer_lowered;
	s11 =	simm.s32 $_tile_overlayer_lowered  }
0xa4: {  	s22 =	simm.s32 $0x1BFF;
	s21 =	sshll.u32 s11, $0x1;
	s8 =	sadd.s32 s9, s19  }
0xa5: {  	s12 =	simm.s32 $0x0;
	s20 =	sshll.u32 s10, $0x1;
	s10 =	sadd.s32 s21, s8  }
0xa6: {  	[timem:s12], [sflag:s22] =	dma.local [hbm:s10], s20  }
0xa7: {  	_ =	swait.ge [sflag:s22], s20  }
0xa8: {  	s9 =	ssub.s32 $0x0, s20;
	[sflag:s22] =	ssyncset.done $0x0  }
0xa9: {  	[sflag:s22] =	ssyncadd.s32 s9;
	_ =	sdelay $0x1  }
0xaa: {  	s23 =	simm.s32 $0x1B8B  }
0xab: {  	_ =	swait.ge [sflag:s23], $0x1  }
0xac: {  	[sflag:s23] =	ssyncset.done $0x0  }
0xad: {  	s25 =	simm.s32 $0x1B8E;
	s24 =	sld [smem:$0x3FFE];
	[sflag:s23] =	ssyncadd.s32 $0xFFFFFFFF  }
0xae: {  	s26 =	simm.s32 $execute0_lowered;
	[smem:$0x3FD2] =	sst s25  }
0xaf: {  	s10 =	sshll.u32 s26, $0x1;
	_ =	strace $0x80000046;
	[dreg:$0x1] =	wrdreg $0xFFFFFFFF  }
0xb0: {  	s28 =	simm.s32 $_size_execute0_lowered;
	s8 =	sadd.s32 s8, s10;
	[dreg:$0x0] =	wrdreg $0x0  }
0xb1: {  	s10 =	sshll.u32 s28, $0x1;
	[dreg:$0x2] =	wrdreg s8  }
0xb2: {  	[dreg:$0x3] =	wrdreg s10  }
0xb3: {  	[dreg:$0x4] =	wrdreg $0xC0  }
0xb4: {  	_ =	task [dreg:s12], $0x5FFFF  }
0xb5: {  	[dreg:$0x1] =	wrdreg $0xFFFFFFFF  }
0xb6: {  	[dreg:$0x0] =	wrdreg $0x60  }
0xb7: {  	[dreg:$0x2] =	wrdreg s4  }
0xb8: {  	[dreg:$0x3] =	wrdreg s5  }
0xb9: {  	[dreg:$0x4] =	wrdreg s2  }
0xba: {  	[dreg:$0x5] =	wrdreg s6  }
0xbb: {  	[dreg:$0x6] =	wrdreg s24  }
0xbc: {  	[dreg:$0x7] =	wrdreg s17  }
0xbd: {  	[dreg:$0x8] =	wrdreg s16  }
0xbe: {  	[dreg:$0x9] =	wrdreg $0x9  }
0xbf: {  	_ =	task.clear_ibuf [dreg:s12], $0xAFFFF;
	_ =	strace $0x90000046  }
0xc0: {  	s29 =	simm.s32 $0x9;
	_ =	strace $0x80000048  }
0xc1: {  	_ =	swait.ge [sflag:s29], $0x1  }
0xc2: {  	[sflag:s29] =	ssyncadd.s32 $0xFFFFFFFF  }
0xc3: {  	_ =	strace $0x90000048  }
0xc4: {  	_ =	sfence  }
0xc5: {  	s30 =	sld [smem:$0x0];
	_ =	sdelay $0x2  }
0xc6: {  	s31 =	sshll.u32 s1, $0xD;
	s1 =	sshrl.u32 s1, $0x2  }
0xc7: {  	s3 =	sand.u32 $0x4000, s31;
	s1 =	sadd.s32 s1, s30  }
0xc8: {  	s0 =	sor.u32 s3, s0;
	s1 =	sshll.u32 s1, $0x11  }
0xc9: {  	s0 =	sor.u32 s1, s0  }
0xca: {  	s0 =	sadd.s32 $0x8F2B, s0  }
0xcb: {  	[sflag:s0] =	ssyncadd.remote.s32 $0x1  }
0xcc: {  	_ =	sfence.sel $0xFFFF  }
0xcd: {  	[dreg:$0x0] =	wrdreg $0xFFFFFFFF;
	(pc) =	sbr.abs _section_cstart, $3  }
0xce: {  	[dreg:$0x1] =	wrdreg $0xFFFFFFFF  }
0xcf: {  	_ =	task.clear_ibuf [dreg:s12], $0x2FFFF;
	_ =	strace $0x9FFFFFFF  }
0xd0: {  	(tm) =	ssettm $0x7FFFFFFF  }
0xd1: {  	_ =	shalt  }
tec
execute0_lowered:
.L_overlay_start_1:
0x0: {  	(tag) =	ssettag $0x1  }
0x1: {  	s0 =	rddreg [dreg:$0x0]  }
0x2: {  	s1 =	rddreg [dreg:$0x1]  }
0x3: {  	s5 =	rddreg [dreg:$0x2]  }
0x4: {  	s7 =	rddreg [dreg:$0x3]  }
0x5: {  	s20 =	rddreg [dreg:$0x4]  }
0x6: {  	s19 =	rddreg [dreg:$0x5]  }
0x7: {  	s3 =	srdreg.scid;
	s2 =	stileid.u32  }
0x8: {  	s18 =	rddreg [dreg:$0x6];
	s21 =	sand.u32 $0x1, s3;
	s6 =	sshll.u32 s2, $0x1  }
0x9: {  	s4 =	simm.s32 $0x0;
	s3 =	rddreg [dreg:$0x7];
	s22 =	sor.u32 s21, s6  }
0xa: {  	[smem:$0x7FF] =	sst s4;
	s23 =	sshll.u32 s22, $0x4  }
0xb: {  	_ =	strace $0x80000047;
	s6 =	sadd.s32 s5, s23;
	s5 =	simm.s32 $0x2  }
0xc: {  	[tilespmem:s4], [sflag:$0x2] =	stream.linear.gather [hbm4b:s6+s4], $0x80, $0x38;
	[tilespmem:$0xC300] =	vst v63  }
0xd: {  	_ =	swait.ge [sflag:s5], $0x80  }
0xe: {  	s24 =	sshll.u32 s22, $0x5;
	[sflag:s5] =	ssyncset.done $0x0  }
0xf: {  	s8 =	simm.s32 $0x80;
	s7 =	sadd.s32 s7, s24;
	[sflag:s5] =	ssyncadd.s32 $0xFFFFFF80  }
0x10: {  	[tilespmem:s8], [sflag:$0x2] =	stream.linear.gather [hbm4b:s7+s4], $0x100, $0x38;
	[tilespmem:$0xC300] =	vst v63  }
0x11: {  	_ =	swait.ge [sflag:s5], $0x100  }
0x12: {  	[sflag:s5] =	ssyncset.done $0x0  }
0x13: {  	s9 =	simm.s32 $0x180;
	[sflag:s5] =	ssyncadd.s32 $0xFFFFFF00  }
0x14: {  	[tilespmem:s9], [sflag:$0x1] =	stream.indirect.gather [hbm4b:s0+s8], $0x80, s4, s8, $0xb8;
	[tilespmem:$0xC300] =	vst v63  }
0x15: {  	s10 =	simm.s32 $0x4180  }
0x16: {  	[tilespmem:s10], [sflag:$0x1] =	stream.indirect.gather [hbm4b:s0+s8], $0x80, s8, s8, $0xb8;
	[tilespmem:$0xC300] =	vst v63  }
0x17: {  	s11 =	simm.s32 $0x100;
	s12 =	simm.s32 $0x8180  }
0x18: {  	[tilespmem:s12], [sflag:$0x1] =	stream.indirect.gather [hbm4b:s0+s8], $0x80, s11, s8, $0xb8;
	[tilespmem:$0xC300] =	vst v63  }
0x19: {  	s13 =	simm.s32 $0xC180  }
0x1a: {  	[tilespmem:s13], [sflag:$0x1] =	stream.indirect.gather [hbm4b:s1+s8], $0x1, s4, s8, $0xb8;
	[tilespmem:$0xC300] =	vst v63  }
0x1b: {  	s14 =	simm.s32 $0xC200  }
0x1c: {  	[tilespmem:s14], [sflag:$0x1] =	stream.indirect.gather [hbm4b:s1+s8], $0x1, s8, s8, $0xb8;
	[tilespmem:$0xC300] =	vst v63  }
0x1d: {  	s15 =	simm.s32 $0xC280;
	s16 =	simm.s32 $0x1  }
0x1e: {  	[tilespmem:s15], [sflag:$0x1] =	stream.indirect.gather [hbm4b:s1+s8], $0x1, s11, s8, $0xb8;
	[tilespmem:$0xC300] =	vst v63  }
0x1f: {  	_ =	swait.ge [sflag:s16], $0x4000  }
0x20: {  	[sflag:s16] =	ssyncset.done $0x0  }
0x21: {  	[sflag:s16] =	ssyncadd.s32 $0xFFFFC000  }
0x22: {  	_ =	swait.ge [sflag:s16], $0x4000  }
0x23: {  	[sflag:s16] =	ssyncset.done $0x0  }
0x24: {  	[sflag:s16] =	ssyncadd.s32 $0xFFFFC000  }
0x25: {  	_ =	swait.ge [sflag:s16], $0x4000  }
0x26: {  	[sflag:s16] =	ssyncset.done $0x0  }
0x27: {  	[sflag:s16] =	ssyncadd.s32 $0xFFFFC000  }
0x28: {  	_ =	swait.ge [sflag:s16], $0x80  }
0x29: {  	[sflag:s16] =	ssyncset.done $0x0  }
0x2a: {  	[sflag:s16] =	ssyncadd.s32 $0xFFFFFF80  }
0x2b: {  	_ =	swait.ge [sflag:s16], $0x80  }
0x2c: {  	[sflag:s16] =	ssyncset.done $0x0  }
0x2d: {  	[sflag:s16] =	ssyncadd.s32 $0xFFFFFF80  }
0x2e: {  	s17 =	sshll.u32 s22, $0xB;
	_ =	swait.ge [sflag:s16], $0x80  }
0x2f: {  	s17 =	sadd.s32 s17, s20;
	[sflag:s16] =	ssyncset.done $0x0  }
0x30: {  	s17 =	sadd.s32 $0x1A00, s17;
	[sflag:s16] =	ssyncadd.s32 $0xFFFFFF80  }
0x31: {  	[hbm4b:s17+s4] =	stream.linear.scatter [tilespmem:s9], [sflag:$0x2], $0x4000, $0x38;
	[tilespmem:$0xC300] =	vst v63  }
0x32: {  	_ =	swait.ge [sflag:s5], $0x4000  }
0x33: {  	s22 =	sshll.u32 s22, $0xC;
	[sflag:s5] =	ssyncset.done $0x0  }
0x34: {  	s21 =	ssub.s32 $0x2, s21;
	s18 =	sadd.s32 s18, s22;
	[sflag:s5] =	ssyncadd.s32 $0xFFFFC000  }
0x35: {  	[hbm4b:s18+s4] =	stream.linear.scatter [tilespmem:s10], [sflag:$0x2], $0x8000, $0x38;
	[tilespmem:$0xC300] =	vst v63  }
0x36: {  	s31 =	sshrl.u32 s21, $0x1;
	_ =	swait.ge [sflag:s5], $0x8000  }
0x37: {  	s21 =	ssub.s32 s21, s31;
	[sflag:s5] =	ssyncset.done $0x0  }
0x38: {  	s19 =	sadd.s32 s19, s23;
	s21 =	smax.u32 s21, $0x1;
	[sflag:s5] =	ssyncadd.s32 $0xFFFF8000  }
0x39: {  	[hbm4b:s19+s4] =	stream.linear.scatter [tilespmem:s13], [sflag:$0x2], $0x80, $0x38;
	[tilespmem:$0xC300] =	vst v63  }
0x3a: {  	p0 =	sne.s32 s21, $0x1;
	_ =	swait.ge [sflag:s5], $0x80  }
.Ltmp0:
0x3b: {  	s20 =	sadd.s32 s24, s20;
	[sflag:s5] =	ssyncset.done $0x0;
	(pc) =	sbr.rel @!p0 .LBB2_2-.Ltmp0, $4  }
0x3c: {  	s20 =	sadd.s32 $0x1600, s20;
	[sflag:s5] =	ssyncadd.s32 $0xFFFFFF80  }
0x3d: {  	[hbm4b:s20+s4] =	stream.linear.scatter [tilespmem:s14], [sflag:$0x2], $0x100, $0x38;
	[tilespmem:$0xC300] =	vst v63  }
0x3e: {  	_ =	swait.ge [sflag:s5], $0x100  }
0x3f: {  	s21 =	sadd.s32 $0xFFFFFFFF, s21;
	[sflag:s5] =	ssyncset.done $0x0  }
.LBB2_1:
0x40: {  	p0 =	sne.s32 s21, $0x1;
	s21 =	sadd.s32 $0xFFFFFFFF, s21;
	[sflag:s5] =	ssyncadd.s32 $0xFFFFFF00  }
0x41: {  	[tilespmem:s4], [sflag:$0x2] =	stream.linear.gather [hbm4b:s6+s4], $0x80, $0x38;
	[tilespmem:$0xC300] =	vst v63  }
0x42: {  	_ =	swait.ge [sflag:s5], $0x80  }
0x43: {  	[sflag:s5] =	ssyncset.done $0x0  }
0x44: {  	[sflag:s5] =	ssyncadd.s32 $0xFFFFFF80  }
0x45: {  	[tilespmem:s8], [sflag:$0x2] =	stream.linear.gather [hbm4b:s7+s4], $0x100, $0x38;
	[tilespmem:$0xC300] =	vst v63  }
0x46: {  	_ =	swait.ge [sflag:s5], $0x100  }
0x47: {  	[sflag:s5] =	ssyncset.done $0x0  }
0x48: {  	[sflag:s5] =	ssyncadd.s32 $0xFFFFFF00  }
0x49: {  	[tilespmem:s9], [sflag:$0x1] =	stream.indirect.gather [hbm4b:s0+s8], $0x80, s4, s8, $0xb8;
	[tilespmem:$0xC300] =	vst v63  }
0x4a: {  	_ = 	snop  }
0x4b: {  	[tilespmem:s10], [sflag:$0x1] =	stream.indirect.gather [hbm4b:s0+s8], $0x80, s8, s8, $0xb8;
	[tilespmem:$0xC300] =	vst v63  }
0x4c: {  	_ = 	snop  }
0x4d: {  	[tilespmem:s12], [sflag:$0x1] =	stream.indirect.gather [hbm4b:s0+s8], $0x80, s11, s8, $0xb8;
	[tilespmem:$0xC300] =	vst v63  }
0x4e: {  	_ = 	snop  }
0x4f: {  	[tilespmem:s13], [sflag:$0x1] =	stream.indirect.gather [hbm4b:s1+s8], $0x1, s4, s8, $0xb8;
	[tilespmem:$0xC300] =	vst v63  }
0x50: {  	_ = 	snop  }
0x51: {  	[tilespmem:s14], [sflag:$0x1] =	stream.indirect.gather [hbm4b:s1+s8], $0x1, s8, s8, $0xb8;
	[tilespmem:$0xC300] =	vst v63  }
0x52: {  	_ = 	snop  }
0x53: {  	[tilespmem:s15], [sflag:$0x1] =	stream.indirect.gather [hbm4b:s1+s8], $0x1, s11, s8, $0xb8;
	[tilespmem:$0xC300] =	vst v63  }
0x54: {  	_ =	swait.ge [sflag:s16], $0x4000  }
0x55: {  	[sflag:s16] =	ssyncset.done $0x0  }
0x56: {  	[sflag:s16] =	ssyncadd.s32 $0xFFFFC000  }
0x57: {  	_ =	swait.ge [sflag:s16], $0x4000  }
0x58: {  	[sflag:s16] =	ssyncset.done $0x0  }
0x59: {  	[sflag:s16] =	ssyncadd.s32 $0xFFFFC000  }
0x5a: {  	_ =	swait.ge [sflag:s16], $0x4000  }
0x5b: {  	[sflag:s16] =	ssyncset.done $0x0  }
0x5c: {  	[sflag:s16] =	ssyncadd.s32 $0xFFFFC000  }
0x5d: {  	_ =	swait.ge [sflag:s16], $0x80  }
0x5e: {  	[sflag:s16] =	ssyncset.done $0x0  }
0x5f: {  	[sflag:s16] =	ssyncadd.s32 $0xFFFFFF80  }
0x60: {  	_ =	swait.ge [sflag:s16], $0x80  }
0x61: {  	[sflag:s16] =	ssyncset.done $0x0  }
0x62: {  	[sflag:s16] =	ssyncadd.s32 $0xFFFFFF80  }
0x63: {  	_ =	swait.ge [sflag:s16], $0x80  }
0x64: {  	[sflag:s16] =	ssyncset.done $0x0  }
0x65: {  	[sflag:s16] =	ssyncadd.s32 $0xFFFFFF80  }
0x66: {  	[hbm4b:s17+s4] =	stream.linear.scatter [tilespmem:s9], [sflag:$0x2], $0x4000, $0x38;
	[tilespmem:$0xC300] =	vst v63  }
0x67: {  	_ =	swait.ge [sflag:s5], $0x4000  }
0x68: {  	[sflag:s5] =	ssyncset.done $0x0  }
0x69: {  	[sflag:s5] =	ssyncadd.s32 $0xFFFFC000  }
0x6a: {  	[hbm4b:s18+s4] =	stream.linear.scatter [tilespmem:s10], [sflag:$0x2], $0x8000, $0x38;
	[tilespmem:$0xC300] =	vst v63  }
0x6b: {  	_ =	swait.ge [sflag:s5], $0x8000  }
0x6c: {  	[sflag:s5] =	ssyncset.done $0x0  }
0x6d: {  	[sflag:s5] =	ssyncadd.s32 $0xFFFF8000  }
0x6e: {  	[hbm4b:s19+s4] =	stream.linear.scatter [tilespmem:s13], [sflag:$0x2], $0x80, $0x38;
	[tilespmem:$0xC300] =	vst v63  }
0x6f: {  	_ =	swait.ge [sflag:s5], $0x80  }
.Ltmp1:
0x70: {  	[sflag:s5] =	ssyncset.done $0x0;
	(pc) =	sbr.rel @p0 .LBB2_1-.Ltmp1, $4  }
0x71: {  	[sflag:s5] =	ssyncadd.s32 $0xFFFFFF80  }
0x72: {  	[hbm4b:s20+s4] =	stream.linear.scatter [tilespmem:s14], [sflag:$0x2], $0x100, $0x38;
	[tilespmem:$0xC300] =	vst v63  }
0x73: {  	_ =	swait.ge [sflag:s5], $0x100  }
0x74: {  	[sflag:s5] =	ssyncset.done $0x0  }
.LBB2_2:
0x75: {  	[sflag:s5] =	ssyncadd.s32 $0xFFFFFF00  }
0x76: {  	_ =	sfence.sel $0x180000  }
0x77: {  	[bflag:$0x0] =	sbarrier.arrive $0xFFFF  }
0x78: {  	p0 =	sne.s32 s2, $0x0;
	_ =	strace $0x90000047  }
0x79: {  	s0 =	sadd.s32 @!p0 $0x100000, s3;
	[bflag:$0x2] =	sbarrier.arrive $0xFFFF  }
0x7a: {  	[sflag:s0] =	ssyncadd.tile.s32 @!p0 $0x1;
	_ =	shalt  }
.Lfunc_end2:
_tile_overlayer_lowered:
.L_overlay_start_2:
0x7b: {  	(tag) =	ssettag $0x2  }
0x7c: {  	s0 =	rddreg [dreg:$0x0];
	s2 =	stileid.u32  }
0x7d: {  	s1 =	rddreg [dreg:$0x1];
	p0 =	sne.s32 s2, $0x0  }
0x7e: {  	s3 =	rddreg [dreg:$0x2];
	[bflag:$0x3] =	sbarrier.arrive $0xFFFF;
	s2 =	simm.s32 @!p0 $0x1C02  }
0x7f: {  	[timem:s3], [sflag:s2] =	dma.local @!p0 [hbm:s0], s1  }
0x80: {  	s0 =	simm.s32 @!p0 $0x2  }
0x81: {  	_ =	swait.ge @!p0 [sflag:s0], s1  }
0x82: {  	s1 =	ssub.s32 @!p0 $0x0, s1;
	[sflag:s0] =	ssyncset.done @!p0 $0x0  }
0x83: {  	[sflag:s0] =	ssyncadd.s32 @!p0 s1  }
0x84: {  	[bflag:$0x3] =	sbarrier.arrive $0xFFFF  }
0x85: {  	_ =	shalt  }

</sc_bundles>
